<compile_context>
chip_gen: v7x
topology: tpu7x:2x2x1
jax: 0.10.2.dev20260603
libtpu: 0.0.44.dev20260713+nightly
codegen_flags: <defaults>
</compile_context>

<pallas_src>
import functools

import jax
import jax.numpy as jnp
from jax import lax
from jax.experimental import pallas as pl
from jax.experimental.pallas import tpu as pltpu
from jax.experimental.pallas import tpu_sc as plsc

_LANES = 16
_NUM_CORES = 2
_NUM_SUBCORES = 16
_NUM_WORKERS = _NUM_CORES * _NUM_SUBCORES
_STREAMS = 4


def _lookup_call(bids_flat, logits_flat, num_ids, vocab):
    n = bids_flat.shape[0]
    per_worker = n // _NUM_WORKERS
    n_idx_vecs = per_worker // _LANES
    main_rows = _NUM_SUBCORES * _LANES
    extra_rows = range(main_rows, num_ids)
    tbl_len = main_rows + _LANES * len(extra_rows)
    seg = vocab // _STREAMS
    assert seg * _STREAMS == vocab and per_worker % _LANES == 0
    n_chunks = (vocab + _LANES - 1) // _LANES
    chunk_pad = n_chunks * _LANES

    mesh = plsc.VectorSubcoreMesh(core_axis_name="c", subcore_axis_name="s",
                                  num_cores=_NUM_CORES,
                                  num_subcores=_NUM_SUBCORES)

    @functools.partial(
        pl.kernel,
        mesh=mesh,
        out_type=jax.ShapeDtypeStruct((n,), jnp.int32),
        compiler_params=pltpu.CompilerParams(needs_layout_passes=False,
                                             skip_device_barrier=True),
        scratch_types=[
            pltpu.VMEM((_LANES * vocab,), jnp.float32),
            pltpu.VMEM((max(1, len(extra_rows)) * chunk_pad,),
                       jnp.float32),
            pltpu.VMEM((per_worker,), jnp.int32),
            pltpu.VMEM((per_worker,), jnp.int32),
            pltpu.VMEM((tbl_len,), jnp.int32),
            pltpu.VMEM((_LANES,), jnp.int32),
            pltpu.VMEM_SHARED((tbl_len,), jnp.int32),
            pltpu.SemaphoreType.DMA,
            pltpu.SemaphoreType.DMA,
        ],
    )
    def body(logits_hbm, bids_hbm, out_hbm,
             rows_v, lrow_v, bids_v, out_v, tbl_v, res_v, tbl_sh, sem, sem2):
        cid = lax.axis_index("c")
        sid = lax.axis_index("s")
        wid = cid * _NUM_SUBCORES + sid
        base = wid * per_worker
        lane = lax.iota(jnp.int32, _LANES)
        neg_inf = jnp.full((_LANES,), -jnp.inf, jnp.float32)
        zero_i = jnp.zeros((_LANES,), jnp.int32)

        bids_cp = pltpu.async_copy(bids_hbm.at[pl.ds(base, per_worker)],
                                   bids_v, sem)
        pltpu.sync_copy(
            logits_hbm.at[pl.ds(sid * _LANES * vocab, _LANES * vocab)],
            rows_v)
        lrow_cps = []
        for j, row in enumerate(extra_rows):
            lrow_cps.append(pltpu.async_copy(
                logits_hbm.at[pl.ds(row * vocab, vocab)],
                lrow_v.at[pl.ds(j * chunk_pad, vocab)], sem2))
            tail = vocab + jnp.minimum(lane, chunk_pad - vocab - 1)
            plsc.store_scatter(lrow_v, [j * chunk_pad + tail], neg_inf,
                               mask=lane < chunk_pad - vocab)
        stream_base = [lane * vocab + k * seg for k in range(_STREAMS)]

        def col_step(c, accs):
            col_vec = jnp.full((_LANES,), c, jnp.int32)
            out = []
            for k in range(_STREAMS):
                best_val, best_idx = accs[k]
                v = plsc.load_gather(rows_v, [stream_base[k] + col_vec])
                gt = v > best_val
                out.append((jnp.where(gt, v, best_val),
                            jnp.where(gt, col_vec, best_idx)))
            return tuple(out)

        init = tuple((neg_inf, zero_i) for _ in range(_STREAMS))
        accs = plsc.parallel_loop(0, seg, 1, unroll=4, carry=init)(col_step)
        best_val, best_idx = accs[0]
        for k in range(1, _STREAMS):
            v_k, i_k = accs[k]
            gt = v_k > best_val
            best_val = jnp.where(gt, v_k, best_val)
            best_idx = jnp.where(gt, i_k + (k * seg), best_idx)
        res_v[...] = best_idx
        pltpu.sync_copy(res_v, tbl_sh.at[pl.ds(sid * _LANES, _LANES)])

        for cp in lrow_cps:
            cp.wait()

        @pl.when(sid == 0)
        def _():
            for j, row in enumerate(extra_rows):
                res_slot = main_rows + j * _LANES
                buf0 = j * chunk_pad

                def chunk_step(c, carry):
                    bv, bi = carry
                    v = lrow_v[pl.ds(buf0 + c * _LANES, _LANES)]
                    gt = v > bv
                    return (jnp.where(gt, v, bv),
                            jnp.where(gt, jnp.full((_LANES,), c, jnp.int32),
                                      bi))

                bv, bi = plsc.parallel_loop(0, n_chunks, 1, unroll=4,
                                            carry=(neg_inf, zero_i))(
                                                chunk_step)
                m = jnp.max(bv)
                col = bi * _LANES + lane
                cand = jnp.where(bv == m, col, jnp.full((_LANES,), vocab,
                                                        jnp.int32))
                res_v[...] = jnp.full((_LANES,), jnp.min(cand), jnp.int32)
                pltpu.sync_copy(res_v, tbl_sh.at[pl.ds(res_slot, _LANES)])

        plsc.subcore_barrier()
        pltpu.sync_copy(tbl_sh, tbl_v)

        bids_cp.wait()
        max_row = jnp.full((_LANES,), num_ids - 1, jnp.int32)

        @plsc.parallel_loop(0, n_idx_vecs, 1, unroll=4)
        def _(i):
            idx = bids_v[pl.ds(i * _LANES, _LANES)]
            idx = jnp.minimum(jnp.maximum(idx, zero_i), max_row)
            out_v[pl.ds(i * _LANES, _LANES)] = plsc.load_gather(tbl_v, [idx])
        pltpu.sync_copy(out_v, out_hbm.at[pl.ds(base, per_worker)])

    return body(logits_flat, bids_flat)


def kernel(byte_ids, logits):
    b, l = byte_ids.shape
    num_ids, vocab = logits.shape
    bids_flat = byte_ids.reshape(-1).astype(jnp.int32)
    out = _lookup_call(bids_flat, logits.reshape(-1), num_ids, vocab)
    return out.reshape(b, l)

# --- scband reference (transcript-rebuilt; emitter-appended) ---
"""Pipeline reference for scband-learned-byte-to-vocab-29446295781809 (READ-ONLY COPY).

The authoritative reference and input builder live on the scoring server;
editing this copy changes nothing except your own understanding.
"""

import jax, jax.numpy as jnp
import numpy as np

VOCAB_SIZE = 1000
NUM_BYTE_IDS = 257
BATCH = 4096
HIST_LEN = 20


def _init_logits():
    logits = jnp.zeros((NUM_BYTE_IDS, VOCAB_SIZE), dtype=jnp.float32)
    rows = jnp.arange(NUM_BYTE_IDS)
    cols = rows % max(1, VOCAB_SIZE - 1) + 1
    logits = logits.at[rows, cols].set(2.0)
    return logits


def setup_inputs(seed: int = 0) -> dict:
    key = jax.random.key(seed)
    k1, _ = jax.random.split(key)
    byte_ids = jax.random.randint(k1, (BATCH, HIST_LEN), 0, 257, dtype=jnp.int64 if jax.config.jax_enable_x64 else jnp.int32)
    logits = _init_logits()
    return {"byte_ids": byte_ids, "logits": logits}


def reference(byte_ids, logits):
    # idx = byte_ids.clamp(0, num_byte_ids - 1)
    idx = jnp.clip(byte_ids, 0, logits.shape[0] - 1)
    # gather rows then argmax over vocab dim
    gathered = jnp.take(logits, idx, axis=0)  # [B, L, vocab]
    return jnp.argmax(gathered, axis=-1)

if __name__ == "__main__":
    import jax
    _d = setup_inputs()
    print(jax.jit(kernel)(*tuple(_d.values())))

</pallas_src>

<mosaic_0001>
#map = affine_map<(d0, d1) -> (0)>
module attributes {stable_mosaic.version = 14 : i64} {
  func.func @body(%arg0: i32, %arg1: i32, %arg2: memref<257000xf32, #tpu.memory_space<hbm>>, %arg3: memref<81920xi32, #tpu.memory_space<hbm>>, %arg4: memref<81920xi32, #tpu.memory_space<hbm>>, %arg5: memref<16000xf32, #tpu.memory_space<vmem>>, %arg6: memref<1008xf32, #tpu.memory_space<vmem>>, %arg7: memref<2560xi32, #tpu.memory_space<vmem>>, %arg8: memref<2560xi32, #tpu.memory_space<vmem>>, %arg9: memref<272xi32, #tpu.memory_space<vmem>>, %arg10: memref<16xi32, #tpu.memory_space<vmem>>, %arg11: memref<272xi32, #tpu.memory_space<vmem_shared>>, %arg12: memref<!tpu.dma_semaphore, #tpu.memory_space<semaphore_mem>>, %arg13: memref<!tpu.dma_semaphore, #tpu.memory_space<semaphore_mem>>) attributes {dimension_semantics = [#tpu.dimension_semantics<core_parallel>, #tpu.dimension_semantics<subcore_parallel>], iteration_bounds = array<i64: 2, 16>, scalar_prefetch = 0 : i64, scratch_operands = 9 : i64, tpu.core_type = #tpu.core_type<sc_vector_subcore>, window_params = [{transform_indices = #map}, {transform_indices = #map}, {transform_indices = #map}]} {
    %mul3A = arith.constant 16 : i32
    %mul3A_0 = arith.muli %arg0, %mul3A : i32
    %add3A = arith.addi %mul3A_0, %arg1 : i32
    %mul3A_1 = arith.constant 2560 : i32
    %mul3A_2 = arith.muli %add3A, %mul3A_1 : i32
    %iota3A = tpu.iota {dimensions = array<i32: 0>} : vector<16xi32>
    %broadcast_in_dim3A = arith.constant 0xFF800000 : f32
    %broadcast_in_dim3A_3 = vector.broadcast %broadcast_in_dim3A : f32 to vector<16xf32>
    %broadcast_in_dim3A_4 = arith.constant 0 : i32
    %broadcast_in_dim3A_5 = vector.broadcast %broadcast_in_dim3A_4 : i32 to vector<16xi32>
    %dma_start3A = tpu.memref_slice %arg3[%mul3A_2] : memref<81920xi32, #tpu.memory_space<hbm>> -> memref<2560xi32, #tpu.memory_space<hbm>>
    %dma_start3A_6 = tpu.memref_slice %arg3[%mul3A_2] : memref<81920xi32, #tpu.memory_space<hbm>> -> memref<2560xi32, #tpu.memory_space<hbm>>
    tpu.enqueue_dma source(%dma_start3A_6 : memref<2560xi32, #tpu.memory_space<hbm>>) target(%arg7 : memref<2560xi32, #tpu.memory_space<vmem>>) target_semaphore(%arg12 : memref<!tpu.dma_semaphore, #tpu.memory_space<semaphore_mem>>)
    %mul3A_7 = arith.constant 16 : i32
    %mul3A_8 = arith.muli %arg1, %mul3A_7 : i32
    %mul3A_9 = arith.constant 1000 : i32
    %mul3A_10 = arith.muli %mul3A_8, %mul3A_9 : i32
    "tpu.region"() ({
      %run_scoped3A = tpu.sem_alloc : memref<!tpu.dma_semaphore, #tpu.memory_space<semaphore_mem>>
      %dma_start3A_91 = tpu.memref_slice %arg2[%mul3A_10] : memref<257000xf32, #tpu.memory_space<hbm>> -> memref<16000xf32, #tpu.memory_space<hbm>>
      %dma_start3A_92 = tpu.memref_slice %arg2[%mul3A_10] : memref<257000xf32, #tpu.memory_space<hbm>> -> memref<16000xf32, #tpu.memory_space<hbm>>
      tpu.enqueue_dma source(%dma_start3A_92 : memref<16000xf32, #tpu.memory_space<hbm>>) target(%arg5 : memref<16000xf32, #tpu.memory_space<vmem>>) target_semaphore(%run_scoped3A : memref<!tpu.dma_semaphore, #tpu.memory_space<semaphore_mem>>)
      %dma_wait3A_93 = tpu.memref_slice %arg2[%mul3A_10] : memref<257000xf32, #tpu.memory_space<hbm>> -> memref<16000xf32, #tpu.memory_space<hbm>>
      %dma_wait3A_94 = tpu.memref_slice %arg2[%mul3A_10] : memref<257000xf32, #tpu.memory_space<hbm>> -> memref<16000xf32, #tpu.memory_space<hbm>>
      tpu.wait_dma2 semaphore(%run_scoped3A : memref<!tpu.dma_semaphore, #tpu.memory_space<semaphore_mem>>) src(%dma_wait3A_94 : memref<16000xf32, #tpu.memory_space<hbm>>) dst(%arg5 : memref<16000xf32, #tpu.memory_space<vmem>>)
      tpu.yield
    }) : () -> ()
    %dma_start3A_11 = arith.constant 0 : i32
    %dma_start3A_12 = tpu.memref_slice %arg6[%dma_start3A_11] : memref<1008xf32, #tpu.memory_space<vmem>> -> memref<1000xf32, #tpu.memory_space<vmem>>
    %dma_start3A_13 = arith.constant 256000 : i32
    %dma_start3A_14 = tpu.memref_slice %arg2[%dma_start3A_13] : memref<257000xf32, #tpu.memory_space<hbm>> -> memref<1000xf32, #tpu.memory_space<hbm>>
    %dma_start3A_15 = arith.constant 0 : i32
    %dma_start3A_16 = tpu.memref_slice %arg6[%dma_start3A_15] : memref<1008xf32, #tpu.memory_space<vmem>> -> memref<1000xf32, #tpu.memory_space<vmem>>
    %dma_start3A_17 = arith.constant 256000 : i32
    %dma_start3A_18 = tpu.memref_slice %arg2[%dma_start3A_17] : memref<257000xf32, #tpu.memory_space<hbm>> -> memref<1000xf32, #tpu.memory_space<hbm>>
    tpu.enqueue_dma source(%dma_start3A_18 : memref<1000xf32, #tpu.memory_space<hbm>>) target(%dma_start3A_16 : memref<1000xf32, #tpu.memory_space<vmem>>) target_semaphore(%arg13 : memref<!tpu.dma_semaphore, #tpu.memory_space<semaphore_mem>>)
    %min3A = arith.constant 7 : i32
    %min3A_19 = vector.broadcast %min3A : i32 to vector<16xi32>
    %min3A_20 = arith.minsi %iota3A, %min3A_19 : vector<16xi32>
    %add3A_21 = arith.constant 1000 : i32
    %add3A_22 = vector.broadcast %add3A_21 : i32 to vector<16xi32>
    %add3A_23 = arith.addi %add3A_22, %min3A_20 : vector<16xi32>
    %add3A_24 = arith.constant 0 : i32
    %add3A_25 = vector.broadcast %add3A_24 : i32 to vector<16xi32>
    %add3A_26 = arith.addi %add3A_25, %add3A_23 : vector<16xi32>
    %lt3A = arith.constant 8 : i32
    %lt3A_27 = vector.broadcast %lt3A : i32 to vector<16xi32>
    %lt3A_28 = arith.cmpi slt, %iota3A, %lt3A_27 : vector<16xi32>
    tpu.vector_store_idx %arg6[%add3A_26], %broadcast_in_dim3A_3 masked %lt3A_28 : memref<1008xf32, #tpu.memory_space<vmem>>[vector<16xi32>], vector<16xf32>, vector<16xi1>
    %mul3A_29 = arith.constant 1000 : i32
    %mul3A_30 = vector.broadcast %mul3A_29 : i32 to vector<16xi32>
    %mul3A_31 = arith.muli %iota3A, %mul3A_30 : vector<16xi32>
    %add3A_32 = arith.constant 0 : i32
    %add3A_33 = vector.broadcast %add3A_32 : i32 to vector<16xi32>
    %add3A_34 = arith.addi %mul3A_31, %add3A_33 : vector<16xi32>
    %mul3A_35 = arith.constant 1000 : i32
    %mul3A_36 = vector.broadcast %mul3A_35 : i32 to vector<16xi32>
    %mul3A_37 = arith.muli %iota3A, %mul3A_36 : vector<16xi32>
    %add3A_38 = arith.constant 250 : i32
    %add3A_39 = vector.broadcast %add3A_38 : i32 to vector<16xi32>
    %add3A_40 = arith.addi %mul3A_37, %add3A_39 : vector<16xi32>
    %mul3A_41 = arith.constant 1000 : i32
    %mul3A_42 = vector.broadcast %mul3A_41 : i32 to vector<16xi32>
    %mul3A_43 = arith.muli %iota3A, %mul3A_42 : vector<16xi32>
    %add3A_44 = arith.constant 500 : i32
    %add3A_45 = vector.broadcast %add3A_44 : i32 to vector<16xi32>
    %add3A_46 = arith.addi %mul3A_43, %add3A_45 : vector<16xi32>
    %mul3A_47 = arith.constant 1000 : i32
    %mul3A_48 = vector.broadcast %mul3A_47 : i32 to vector<16xi32>
    %mul3A_49 = arith.muli %iota3A, %mul3A_48 : vector<16xi32>
    %add3A_50 = arith.constant 750 : i32
    %add3A_51 = vector.broadcast %add3A_50 : i32 to vector<16xi32>
    %add3A_52 = arith.addi %mul3A_49, %add3A_51 : vector<16xi32>
    %parallel_loop3A = arith.constant 0 : i32
    %parallel_loop3A_53 = arith.constant 250 : i32
    %parallel_loop3A_54 = arith.constant 1 : i32
    %parallel_loop3A_55:8 = scf.for %parallel_loop3A_91 = %parallel_loop3A to %parallel_loop3A_53 step %parallel_loop3A_54 iter_args(%parallel_loop3A_92 = %broadcast_in_dim3A_3, %parallel_loop3A_93 = %broadcast_in_dim3A_5, %parallel_loop3A_94 = %broadcast_in_dim3A_3, %parallel_loop3A_95 = %broadcast_in_dim3A_5, %parallel_loop3A_96 = %broadcast_in_dim3A_3, %parallel_loop3A_97 = %broadcast_in_dim3A_5, %parallel_loop3A_98 = %broadcast_in_dim3A_3, %parallel_loop3A_99 = %broadcast_in_dim3A_5) -> (vector<16xf32>, vector<16xi32>, vector<16xf32>, vector<16xi32>, vector<16xf32>, vector<16xi32>, vector<16xf32>, vector<16xi32>)  : i32 {
      %parallel_loop3A_100 = vector.broadcast %parallel_loop3A_91 : i32 to vector<16xi32>
      %parallel_loop3A_101 = arith.addi %add3A_34, %parallel_loop3A_100 : vector<16xi32>
      %parallel_loop3A_102 = tpu.vector_load_idx %arg5[%parallel_loop3A_101] : memref<16000xf32, #tpu.memory_space<vmem>>[vector<16xi32>], vector<16xf32>,
      %parallel_loop3A_103 = arith.cmpf ogt, %parallel_loop3A_102, %parallel_loop3A_92 : vector<16xf32>
      %parallel_loop3A_104 = arith.select %parallel_loop3A_103, %parallel_loop3A_102, %parallel_loop3A_92 : vector<16xi1>, vector<16xf32>
      %parallel_loop3A_105 = arith.select %parallel_loop3A_103, %parallel_loop3A_100, %parallel_loop3A_93 : vector<16xi1>, vector<16xi32>
      %parallel_loop3A_106 = arith.addi %add3A_40, %parallel_loop3A_100 : vector<16xi32>
      %parallel_loop3A_107 = tpu.vector_load_idx %arg5[%parallel_loop3A_106] : memref<16000xf32, #tpu.memory_space<vmem>>[vector<16xi32>], vector<16xf32>,
      %parallel_loop3A_108 = arith.cmpf ogt, %parallel_loop3A_107, %parallel_loop3A_94 : vector<16xf32>
      %parallel_loop3A_109 = arith.select %parallel_loop3A_108, %parallel_loop3A_107, %parallel_loop3A_94 : vector<16xi1>, vector<16xf32>
      %parallel_loop3A_110 = arith.select %parallel_loop3A_108, %parallel_loop3A_100, %parallel_loop3A_95 : vector<16xi1>, vector<16xi32>
      %parallel_loop3A_111 = arith.addi %add3A_46, %parallel_loop3A_100 : vector<16xi32>
      %parallel_loop3A_112 = tpu.vector_load_idx %arg5[%parallel_loop3A_111] : memref<16000xf32, #tpu.memory_space<vmem>>[vector<16xi32>], vector<16xf32>,
      %parallel_loop3A_113 = arith.cmpf ogt, %parallel_loop3A_112, %parallel_loop3A_96 : vector<16xf32>
      %parallel_loop3A_114 = arith.select %parallel_loop3A_113, %parallel_loop3A_112, %parallel_loop3A_96 : vector<16xi1>, vector<16xf32>
      %parallel_loop3A_115 = arith.select %parallel_loop3A_113, %parallel_loop3A_100, %parallel_loop3A_97 : vector<16xi1>, vector<16xi32>
      %parallel_loop3A_116 = arith.addi %add3A_52, %parallel_loop3A_100 : vector<16xi32>
      %parallel_loop3A_117 = tpu.vector_load_idx %arg5[%parallel_loop3A_116] : memref<16000xf32, #tpu.memory_space<vmem>>[vector<16xi32>], vector<16xf32>,
      %parallel_loop3A_118 = arith.cmpf ogt, %parallel_loop3A_117, %parallel_loop3A_98 : vector<16xf32>
      %parallel_loop3A_119 = arith.select %parallel_loop3A_118, %parallel_loop3A_117, %parallel_loop3A_98 : vector<16xi1>, vector<16xf32>
      %parallel_loop3A_120 = arith.select %parallel_loop3A_118, %parallel_loop3A_100, %parallel_loop3A_99 : vector<16xi1>, vector<16xi32>
      scf.yield %parallel_loop3A_104, %parallel_loop3A_105, %parallel_loop3A_109, %parallel_loop3A_110, %parallel_loop3A_114, %parallel_loop3A_115, %parallel_loop3A_119, %parallel_loop3A_120 : vector<16xf32>, vector<16xi32>, vector<16xf32>, vector<16xi32>, vector<16xf32>, vector<16xi32>, vector<16xf32>, vector<16xi32>
    } {sc.loop_unroll_factor = 4 : i64, sc.parallel_access}
    %gt3A = arith.cmpf ogt, %parallel_loop3A_55#2, %parallel_loop3A_55#0 : vector<16xf32>
    %select_n3A = arith.select %gt3A, %parallel_loop3A_55#2, %parallel_loop3A_55#0 : vector<16xi1>, vector<16xf32>
    %add3A_56 = arith.constant 250 : i32
    %add3A_57 = vector.broadcast %add3A_56 : i32 to vector<16xi32>
    %add3A_58 = arith.addi %parallel_loop3A_55#3, %add3A_57 : vector<16xi32>
    %select_n3A_59 = arith.select %gt3A, %add3A_58, %parallel_loop3A_55#1 : vector<16xi1>, vector<16xi32>
    %gt3A_60 = arith.cmpf ogt, %parallel_loop3A_55#4, %select_n3A : vector<16xf32>
    %select_n3A_61 = arith.select %gt3A_60, %parallel_loop3A_55#4, %select_n3A : vector<16xi1>, vector<16xf32>
    %add3A_62 = arith.constant 500 : i32
    %add3A_63 = vector.broadcast %add3A_62 : i32 to vector<16xi32>
    %add3A_64 = arith.addi %parallel_loop3A_55#5, %add3A_63 : vector<16xi32>
    %select_n3A_65 = arith.select %gt3A_60, %add3A_64, %select_n3A_59 : vector<16xi1>, vector<16xi32>
    %gt3A_66 = arith.cmpf ogt, %parallel_loop3A_55#6, %select_n3A_61 : vector<16xf32>
    %select_n3A_67 = arith.select %gt3A_66, %parallel_loop3A_55#6, %select_n3A_61 : vector<16xi1>, vector<16xf32>
    %add3A_68 = arith.constant 750 : i32
    %add3A_69 = vector.broadcast %add3A_68 : i32 to vector<16xi32>
    %add3A_70 = arith.addi %parallel_loop3A_55#7, %add3A_69 : vector<16xi32>
    %select_n3A_71 = arith.select %gt3A_66, %add3A_70, %select_n3A_65 : vector<16xi1>, vector<16xi32>
    %swap3A = arith.constant 0 : index
    %swap3A_72 = tpu.vector_load %arg10[%swap3A] {strides = array<i32>} : memref<16xi32, #tpu.memory_space<vmem>>, vector<16xi32>,
    tpu.vector_store %arg10[%swap3A], %select_n3A_71 {strides = array<i32>} : memref<16xi32, #tpu.memory_space<vmem>>, vector<16xi32>,
    %mul3A_73 = arith.constant 16 : i32
    %mul3A_74 = arith.muli %arg1, %mul3A_73 : i32
    "tpu.region"() ({
      %run_scoped3A = tpu.sem_alloc : memref<!tpu.dma_semaphore, #tpu.memory_space<semaphore_mem>>
      %dma_start3A_91 = tpu.memref_slice %arg11[%mul3A_74] : memref<272xi32, #tpu.memory_space<vmem_shared>> -> memref<16xi32, #tpu.memory_space<vmem_shared>>
      %dma_start3A_92 = tpu.memref_slice %arg11[%mul3A_74] : memref<272xi32, #tpu.memory_space<vmem_shared>> -> memref<16xi32, #tpu.memory_space<vmem_shared>>
      tpu.enqueue_dma source(%arg10 : memref<16xi32, #tpu.memory_space<vmem>>) target(%dma_start3A_92 : memref<16xi32, #tpu.memory_space<vmem_shared>>) target_semaphore(%run_scoped3A : memref<!tpu.dma_semaphore, #tpu.memory_space<semaphore_mem>>)
      %dma_wait3A_93 = tpu.memref_slice %arg11[%mul3A_74] : memref<272xi32, #tpu.memory_space<vmem_shared>> -> memref<16xi32, #tpu.memory_space<vmem_shared>>
      %dma_wait3A_94 = tpu.memref_slice %arg11[%mul3A_74] : memref<272xi32, #tpu.memory_space<vmem_shared>> -> memref<16xi32, #tpu.memory_space<vmem_shared>>
      tpu.wait_dma2 semaphore(%run_scoped3A : memref<!tpu.dma_semaphore, #tpu.memory_space<semaphore_mem>>) src(%arg10 : memref<16xi32, #tpu.memory_space<vmem>>) dst(%dma_wait3A_94 : memref<16xi32, #tpu.memory_space<vmem_shared>>)
      tpu.yield
    }) : () -> ()
    %dma_wait3A = arith.constant 0 : i32
    %dma_wait3A_75 = tpu.memref_slice %arg6[%dma_wait3A] : memref<1008xf32, #tpu.memory_space<vmem>> -> memref<1000xf32, #tpu.memory_space<vmem>>
    %dma_wait3A_76 = arith.constant 256000 : i32
    %dma_wait3A_77 = tpu.memref_slice %arg2[%dma_wait3A_76] : memref<257000xf32, #tpu.memory_space<hbm>> -> memref<1000xf32, #tpu.memory_space<hbm>>
    %dma_wait3A_78 = arith.constant 0 : i32
    %dma_wait3A_79 = tpu.memref_slice %arg6[%dma_wait3A_78] : memref<1008xf32, #tpu.memory_space<vmem>> -> memref<1000xf32, #tpu.memory_space<vmem>>
    %dma_wait3A_80 = arith.constant 256000 : i32
    %dma_wait3A_81 = tpu.memref_slice %arg2[%dma_wait3A_80] : memref<257000xf32, #tpu.memory_space<hbm>> -> memref<1000xf32, #tpu.memory_space<hbm>>
    tpu.wait_dma2 semaphore(%arg13 : memref<!tpu.dma_semaphore, #tpu.memory_space<semaphore_mem>>) src(%dma_wait3A_81 : memref<1000xf32, #tpu.memory_space<hbm>>) dst(%dma_wait3A_79 : memref<1000xf32, #tpu.memory_space<vmem>>)
    %eq3A = arith.constant 0 : i32
    %eq3A_82 = arith.cmpi eq, %arg1, %eq3A : i32
    %convert_element_type3A = arith.extui %eq3A_82 : i1 to i32
    %cond3A = arith.constant 0 : i32
    %cond3A_83 = arith.cmpi ne, %convert_element_type3A, %cond3A : i32
    scf.if %cond3A_83 {
      %parallel_loop3A_91 = arith.constant 0 : i32
      %parallel_loop3A_92 = arith.constant 63 : i32
      %parallel_loop3A_93 = arith.constant 1 : i32
      %parallel_loop3A_94:2 = scf.for %parallel_loop3A_117 = %parallel_loop3A_91 to %parallel_loop3A_92 step %parallel_loop3A_93 iter_args(%parallel_loop3A_118 = %broadcast_in_dim3A_3, %parallel_loop3A_119 = %broadcast_in_dim3A_5) -> (vector<16xf32>, vector<16xi32>)  : i32 {
        %parallel_loop3A_120 = arith.constant 16 : i32
        %parallel_loop3A_121 = arith.muli %parallel_loop3A_117, %parallel_loop3A_120 : i32
        %parallel_loop3A_122 = arith.constant 0 : i32
        %parallel_loop3A_123 = arith.addi %parallel_loop3A_122, %parallel_loop3A_121 : i32
        %parallel_loop3A_124 = arith.index_cast %parallel_loop3A_123 : i32 to index
        %parallel_loop3A_125 = tpu.vector_load %arg6[%parallel_loop3A_124] {strides = array<i32>} : memref<1008xf32, #tpu.memory_space<vmem>>, vector<16xf32>,
        %parallel_loop3A_126 = arith.cmpf ogt, %parallel_loop3A_125, %parallel_loop3A_118 : vector<16xf32>
        %parallel_loop3A_127 = arith.select %parallel_loop3A_126, %parallel_loop3A_125, %parallel_loop3A_118 : vector<16xi1>, vector<16xf32>
        %parallel_loop3A_128 = vector.broadcast %parallel_loop3A_117 : i32 to vector<16xi32>
        %parallel_loop3A_129 = arith.select %parallel_loop3A_126, %parallel_loop3A_128, %parallel_loop3A_119 : vector<16xi1>, vector<16xi32>
        scf.yield %parallel_loop3A_127, %parallel_loop3A_129 : vector<16xf32>, vector<16xi32>
      } {sc.loop_unroll_factor = 4 : i64, sc.parallel_access}
      %reduce_max3A = arith.constant true
      %reduce_max3A_95 = vector.broadcast %reduce_max3A : i1 to vector<16xi1>
      %reduce_max3A_96 = tpu.scan <max>, %parallel_loop3A_94#0 masked %reduce_max3A_95 : vector<16xf32>, vector<16xi1> -> vector<16xf32>
      %reduce_max3A_97 = vector.extract %reduce_max3A_96[15] : f32 from vector<16xf32>
      %mul3A_98 = arith.constant 16 : i32
      %mul3A_99 = vector.broadcast %mul3A_98 : i32 to vector<16xi32>
      %mul3A_100 = arith.muli %parallel_loop3A_94#1, %mul3A_99 : vector<16xi32>
      %add3A_101 = arith.addi %mul3A_100, %iota3A : vector<16xi32>
      %eq3A_102 = vector.broadcast %reduce_max3A_97 : f32 to vector<16xf32>
      %eq3A_103 = arith.cmpf oeq, %parallel_loop3A_94#0, %eq3A_102 : vector<16xf32>
      %broadcast_in_dim3A_104 = arith.constant 1000 : i32
      %broadcast_in_dim3A_105 = vector.broadcast %broadcast_in_dim3A_104 : i32 to vector<16xi32>
      %select_n3A_106 = arith.select %eq3A_103, %add3A_101, %broadcast_in_dim3A_105 : vector<16xi1>, vector<16xi32>
      %reduce_min3A = arith.constant true
      %reduce_min3A_107 = vector.broadcast %reduce_min3A : i1 to vector<16xi1>
      %reduce_min3A_108 = arith.constant -2147483648 : i32
      %reduce_min3A_109 = vector.broadcast %reduce_min3A_108 : i32 to vector<16xi32>
      %reduce_min3A_110 = arith.xori %select_n3A_106, %reduce_min3A_109 : vector<16xi32>
      %reduce_min3A_111 = tpu.scan <min>, %reduce_min3A_110 masked %reduce_min3A_107 : vector<16xi32>, vector<16xi1> -> vector<16xi32>
      %reduce_min3A_112 = arith.xori %reduce_min3A_111, %reduce_min3A_109 : vector<16xi32>
      %reduce_min3A_113 = vector.extract %reduce_min3A_112[15] : i32 from vector<16xi32>
      %broadcast_in_dim3A_114 = vector.broadcast %reduce_min3A_113 : i32 to vector<16xi32>
      %swap3A_115 = arith.constant 0 : index
      %swap3A_116 = tpu.vector_load %arg10[%swap3A_115] {strides = array<i32>} : memref<16xi32, #tpu.memory_space<vmem>>, vector<16xi32>,
      tpu.vector_store %arg10[%swap3A_115], %broadcast_in_dim3A_114 {strides = array<i32>} : memref<16xi32, #tpu.memory_space<vmem>>, vector<16xi32>,
      "tpu.region"() ({
        %run_scoped3A = tpu.sem_alloc : memref<!tpu.dma_semaphore, #tpu.memory_space<semaphore_mem>>
        %dma_start3A_117 = arith.constant 256 : i32
        %dma_start3A_118 = tpu.memref_slice %arg11[%dma_start3A_117] : memref<272xi32, #tpu.memory_space<vmem_shared>> -> memref<16xi32, #tpu.memory_space<vmem_shared>>
        %dma_start3A_119 = arith.constant 256 : i32
        %dma_start3A_120 = tpu.memref_slice %arg11[%dma_start3A_119] : memref<272xi32, #tpu.memory_space<vmem_shared>> -> memref<16xi32, #tpu.memory_space<vmem_shared>>
        tpu.enqueue_dma source(%arg10 : memref<16xi32, #tpu.memory_space<vmem>>) target(%dma_start3A_120 : memref<16xi32, #tpu.memory_space<vmem_shared>>) target_semaphore(%run_scoped3A : memref<!tpu.dma_semaphore, #tpu.memory_space<semaphore_mem>>)
        %dma_wait3A_121 = arith.constant 256 : i32
        %dma_wait3A_122 = tpu.memref_slice %arg11[%dma_wait3A_121] : memref<272xi32, #tpu.memory_space<vmem_shared>> -> memref<16xi32, #tpu.memory_space<vmem_shared>>
        %dma_wait3A_123 = arith.constant 256 : i32
        %dma_wait3A_124 = tpu.memref_slice %arg11[%dma_wait3A_123] : memref<272xi32, #tpu.memory_space<vmem_shared>> -> memref<16xi32, #tpu.memory_space<vmem_shared>>
        tpu.wait_dma2 semaphore(%run_scoped3A : memref<!tpu.dma_semaphore, #tpu.memory_space<semaphore_mem>>) src(%arg10 : memref<16xi32, #tpu.memory_space<vmem>>) dst(%dma_wait3A_124 : memref<16xi32, #tpu.memory_space<vmem_shared>>)
        tpu.yield
      }) : () -> ()
    } else {
    }
    %barrier3A = arith.constant 0 : index
    tpu.barrier barrier_id(%barrier3A)
    "tpu.region"() ({
      %run_scoped3A = tpu.sem_alloc : memref<!tpu.dma_semaphore, #tpu.memory_space<semaphore_mem>>
      tpu.enqueue_dma source(%arg11 : memref<272xi32, #tpu.memory_space<vmem_shared>>) target(%arg9 : memref<272xi32, #tpu.memory_space<vmem>>) target_semaphore(%run_scoped3A : memref<!tpu.dma_semaphore, #tpu.memory_space<semaphore_mem>>)
      tpu.wait_dma2 semaphore(%run_scoped3A : memref<!tpu.dma_semaphore, #tpu.memory_space<semaphore_mem>>) src(%arg11 : memref<272xi32, #tpu.memory_space<vmem_shared>>) dst(%arg9 : memref<272xi32, #tpu.memory_space<vmem>>)
      tpu.yield
    }) : () -> ()
    %dma_wait3A_84 = tpu.memref_slice %arg3[%mul3A_2] : memref<81920xi32, #tpu.memory_space<hbm>> -> memref<2560xi32, #tpu.memory_space<hbm>>
    %dma_wait3A_85 = tpu.memref_slice %arg3[%mul3A_2] : memref<81920xi32, #tpu.memory_space<hbm>> -> memref<2560xi32, #tpu.memory_space<hbm>>
    tpu.wait_dma2 semaphore(%arg12 : memref<!tpu.dma_semaphore, #tpu.memory_space<semaphore_mem>>) src(%dma_wait3A_85 : memref<2560xi32, #tpu.memory_space<hbm>>) dst(%arg7 : memref<2560xi32, #tpu.memory_space<vmem>>)
    %broadcast_in_dim3A_86 = arith.constant 256 : i32
    %broadcast_in_dim3A_87 = vector.broadcast %broadcast_in_dim3A_86 : i32 to vector<16xi32>
    %parallel_loop3A_88 = arith.constant 0 : i32
    %parallel_loop3A_89 = arith.constant 160 : i32
    %parallel_loop3A_90 = arith.constant 1 : i32
    scf.for %parallel_loop3A_91 = %parallel_loop3A_88 to %parallel_loop3A_89 step %parallel_loop3A_90  : i32 {
      %parallel_loop3A_92 = arith.constant 16 : i32
      %parallel_loop3A_93 = arith.muli %parallel_loop3A_91, %parallel_loop3A_92 : i32
      %parallel_loop3A_94 = arith.index_cast %parallel_loop3A_93 : i32 to index
      %parallel_loop3A_95 = tpu.vector_load %arg7[%parallel_loop3A_94] {strides = array<i32>} : memref<2560xi32, #tpu.memory_space<vmem>>, vector<16xi32>,
      %parallel_loop3A_96 = arith.maxsi %parallel_loop3A_95, %broadcast_in_dim3A_5 : vector<16xi32>
      %parallel_loop3A_97 = arith.minsi %parallel_loop3A_96, %broadcast_in_dim3A_87 : vector<16xi32>
      %parallel_loop3A_98 = tpu.vector_load_idx %arg9[%parallel_loop3A_97] : memref<272xi32, #tpu.memory_space<vmem>>[vector<16xi32>], vector<16xi32>,
      %parallel_loop3A_99 = arith.constant 16 : i32
      %parallel_loop3A_100 = arith.muli %parallel_loop3A_91, %parallel_loop3A_99 : i32
      %parallel_loop3A_101 = arith.index_cast %parallel_loop3A_100 : i32 to index
      %parallel_loop3A_102 = tpu.vector_load %arg8[%parallel_loop3A_101] {strides = array<i32>} : memref<2560xi32, #tpu.memory_space<vmem>>, vector<16xi32>,
      tpu.vector_store %arg8[%parallel_loop3A_101], %parallel_loop3A_98 {strides = array<i32>} : memref<2560xi32, #tpu.memory_space<vmem>>, vector<16xi32>,
    } {sc.loop_unroll_factor = 4 : i64, sc.parallel_access}
    "tpu.region"() ({
      %run_scoped3A = tpu.sem_alloc : memref<!tpu.dma_semaphore, #tpu.memory_space<semaphore_mem>>
      %dma_start3A_91 = tpu.memref_slice %arg4[%mul3A_2] : memref<81920xi32, #tpu.memory_space<hbm>> -> memref<2560xi32, #tpu.memory_space<hbm>>
      %dma_start3A_92 = tpu.memref_slice %arg4[%mul3A_2] : memref<81920xi32, #tpu.memory_space<hbm>> -> memref<2560xi32, #tpu.memory_space<hbm>>
      tpu.enqueue_dma source(%arg8 : memref<2560xi32, #tpu.memory_space<vmem>>) target(%dma_start3A_92 : memref<2560xi32, #tpu.memory_space<hbm>>) target_semaphore(%run_scoped3A : memref<!tpu.dma_semaphore, #tpu.memory_space<semaphore_mem>>)
      %dma_wait3A_93 = tpu.memref_slice %arg4[%mul3A_2] : memref<81920xi32, #tpu.memory_space<hbm>> -> memref<2560xi32, #tpu.memory_space<hbm>>
      %dma_wait3A_94 = tpu.memref_slice %arg4[%mul3A_2] : memref<81920xi32, #tpu.memory_space<hbm>> -> memref<2560xi32, #tpu.memory_space<hbm>>
      tpu.wait_dma2 semaphore(%run_scoped3A : memref<!tpu.dma_semaphore, #tpu.memory_space<semaphore_mem>>) src(%arg8 : memref<2560xi32, #tpu.memory_space<vmem>>) dst(%dma_wait3A_94 : memref<2560xi32, #tpu.memory_space<hbm>>)
      tpu.yield
    }) : () -> ()
    return
  }
}

</mosaic_0001>

<sc_bundles>
// kernel: kernel.3.cloned.1.call-start
scs
__scs_entry_jumppad:
0x0: {  	(pc) =	sbr.rel $0x88, $3  }
0x1: {  	(tag) =	ssettag $0x0;
	lr =	simm.s32 $0x1  }
0x2: {  	[smem:$0x3F9F] =	sst lr;
	_ =	strace $0xD0000000  }
0x3: {  	_ = 	snop  }
0x4: {  	_ = 	snop  }
0x5: {  	_ = 	snop  }
0x6: {  	_ = 	snop  }
0x7: {  	_ = 	snop  }
__scs_overlays_trampoline_lowered:
0x8: {  	[smem:$0x3FAE] =	sst s0  }
0x9: {  	[smem:$0x3FAF] =	sst s1  }
0xa: {  	[smem:$0x3FB0] =	sst s2  }
0xb: {  	[smem:$0x3FB1] =	sst s3  }
0xc: {  	[smem:$0x3FB2] =	sst s4  }
0xd: {  	[smem:$0x3FB3] =	sst s5  }
0xe: {  	[smem:$0x3FB4] =	sst s6  }
0xf: {  	[smem:$0x3FB5] =	sst s7  }
0x10: {  	[smem:$0x3FB6] =	sst s8  }
0x11: {  	[smem:$0x3FB7] =	sst s9;
	s0 =	simm.s32 @!p0 $0x0  }
0x12: {  	s1 =	sld [smem:$0x3F9D];
	s0 =	simm.s32 @p0 $0x1  }
0x13: {  	[smem:$0x3FB8] =	sst s0;
	s0 =	simm.s32 @!p1 $0x0  }
0x14: {  	s2 =	sld [smem:$0x3F9C];
	s0 =	simm.s32 @p1 $0x1  }
0x15: {  	[smem:$0x3FB9] =	sst s0;
	s0 =	simm.s32 @!p2 $0x0  }
0x16: {  	s3 =	sld [smem:$0x3FDB];
	s0 =	simm.s32 @p2 $0x1  }
0x17: {  	s4 =	simm.s32 $0x1BF5;
	[smem:$0x3FBB] =	sst s0  }
0x18: {  	s0 =	sld [smem:$0x3F9E];
	_ =	swait.ge [sflag:s4], $0x0  }
0x19: {  	s7 =	sld [smem:$0x3F9F]  }
0x1a: {  	s8 =	sadd.s32 $0xFFFFE003, lr  }
0x1b: {  	s9 =	sadd.s32 $0xFFFFFEF7, lr;
	s5 =	simm.s32 $0xFFFFFFFF;
	p2 =	slt.u32 s8, $0xFFFFF086  }
0x1c: {  	p1 =	slt.u32 s9, $0xF7A;
	s5 =	simm.s32 @!p2 $0x0  }
0x1d: {  	s5 =	simm.s32 @p1 $0x1;
	p0 =	seq.s32 s7, s2  }
0x1e: {  	s7 =	smul.u32 @!p0 $0xF7A, s2;
	p2 =	seq.s32 @!p0 s5, $0x0  }
0x1f: {  	s9 =	smul.u32 $0xF7A, s1;
	s8 =	simm.s32 @!p0 $0x1BF5;
	p2 =	por !p2, p0  }
0x20: {  	[sflag:s8] =	ssyncset.s32 @!p0 $0xFFFFF086;
	s6 =	sadd.s32 @!p0 s3, s7;
	s7 =	simm.s32 @!p0 $0x108  }
0x21: {  	s3 =	sadd.s32 s3, s9;
	s6 =	sadd.s32 @!p0 $0x88, s6;
	s7 =	simm.s32 @p2 $0x1082  }
0x22: {  	[simem:s7], [sflag:s8] =	dma.local @!p0 [hbm:s6], $0xF7A  }
0x23: {  	s9 =	sor.u32 $0xD0000000, s2;
	s6 =	simm.s32 $0x108;
	_ =	swait.ge @!p0 [sflag:s8], $0x0  }
0x24: {  	s3 =	sadd.s32 $0x88, s3;
	s6 =	simm.s32 @!p1 $0x1082;
	[sflag:s4] =	ssyncset.s32 $0xFFFFF086  }
0x25: {  	[simem:s6], [sflag:s4] =	dma.local [hbm:s3], $0xF7A  }
0x26: {  	[smem:$0x3F9F] =	sst s1;
	(tag) =	ssettag s2;
	_ =	strace s9  }
0x27: {  	s1 =	sld [smem:$0x3FAF]  }
0x28: {  	s2 =	sld [smem:$0x3FB0]  }
0x29: {  	s4 =	sld [smem:$0x3FB2]  }
0x2a: {  	p0 =	seq.s32 s5, $0x0;
	s5 =	sld [smem:$0x3FB3]  }
0x2b: {  	s6 =	sld [smem:$0x3FB4]  }
0x2c: {  	s7 =	sld [smem:$0x3FB5]  }
0x2d: {  	s3 =	simm.s32 $0x108;
	s8 =	sld [smem:$0x3FB6]  }
0x2e: {  	s3 =	simm.s32 @!p0 $0x1082;
	s9 =	sld [smem:$0x3FB7]  }
0x2f: {  	lr =	sadd.s32 s0, s3;
	s0 =	sld [smem:$0x3FAE]  }
0x30: {  	s3 =	sld [smem:$0x3FB1]  }
0x31: {  	[smem:$0x3FBA] =	sst s10  }
0x32: {  	s10 =	sld [smem:$0x3FB8];
	_ =	sdelay $0x3  }
0x33: {  	p0 =	seq.s32 s10, $0x1;
	s10 =	sld [smem:$0x3FBA];
	_ =	sdelay $0x3  }
0x34: {  	[smem:$0x3FBA] =	sst s10  }
0x35: {  	s10 =	sld [smem:$0x3FB9];
	_ =	sdelay $0x3  }
0x36: {  	p1 =	seq.s32 s10, $0x1;
	s10 =	sld [smem:$0x3FBA];
	_ =	sdelay $0x3  }
0x37: {  	[smem:$0x3FBA] =	sst s10  }
0x38: {  	s10 =	sld [smem:$0x3FBB]  }
0x39: {  	_ = 	snop;
	(pc) =	sbr.ind lr, $3  }
0x3a: {  	_ = 	snop  }
0x3b: {  	_ = 	snop  }
0x3c: {  	p2 =	seq.s32 s10, $0x1;
	s10 =	sld [smem:$0x3FBA]  }
0x3d: {  	_ =	shalt  }
0x3e: {  	_ =	shalt  }
0x3f: {  	_ =	shalt  }
0x40: {  	_ =	shalt  }
0x41: {  	_ =	shalt  }
0x42: {  	_ =	shalt  }
0x43: {  	_ =	shalt  }
0x44: {  	_ =	shalt  }
0x45: {  	_ =	shalt  }
0x46: {  	_ =	shalt  }
0x47: {  	_ =	shalt  }
0x48: {  	_ =	shalt  }
0x49: {  	_ =	shalt  }
0x4a: {  	_ =	shalt  }
0x4b: {  	_ =	shalt  }
0x4c: {  	_ =	shalt  }
0x4d: {  	_ =	shalt  }
0x4e: {  	_ =	shalt  }
0x4f: {  	_ =	shalt  }
0x50: {  	_ =	shalt  }
0x51: {  	_ =	shalt  }
0x52: {  	_ =	shalt  }
0x53: {  	_ =	shalt  }
0x54: {  	_ =	shalt  }
0x55: {  	_ =	shalt  }
0x56: {  	_ =	shalt  }
0x57: {  	_ =	shalt  }
0x58: {  	_ =	shalt  }
0x59: {  	_ =	shalt  }
0x5a: {  	_ =	shalt  }
0x5b: {  	_ =	shalt  }
0x5c: {  	_ =	shalt  }
0x5d: {  	_ =	shalt  }
0x5e: {  	_ =	shalt  }
0x5f: {  	_ =	shalt  }
0x60: {  	_ =	shalt  }
0x61: {  	_ =	shalt  }
0x62: {  	_ =	shalt  }
0x63: {  	_ =	shalt  }
0x64: {  	_ =	shalt  }
0x65: {  	_ =	shalt  }
0x66: {  	_ =	shalt  }
0x67: {  	_ =	shalt  }
0x68: {  	_ =	shalt  }
0x69: {  	_ =	shalt  }
0x6a: {  	_ =	shalt  }
0x6b: {  	_ =	shalt  }
0x6c: {  	_ =	shalt  }
0x6d: {  	_ =	shalt  }
0x6e: {  	_ =	shalt  }
0x6f: {  	_ =	shalt  }
0x70: {  	_ =	shalt  }
0x71: {  	_ =	shalt  }
0x72: {  	_ =	shalt  }
0x73: {  	_ =	shalt  }
0x74: {  	_ =	shalt  }
0x75: {  	_ =	shalt  }
0x76: {  	_ =	shalt  }
0x77: {  	_ =	shalt  }
0x78: {  	_ =	shalt  }
0x79: {  	_ =	shalt  }
0x7a: {  	_ =	shalt  }
0x7b: {  	_ =	shalt  }
0x7c: {  	_ =	shalt  }
0x7d: {  	_ =	shalt  }
0x7e: {  	_ =	shalt  }
0x7f: {  	_ =	shalt  }
0x80: {  	_ =	shalt  }
0x81: {  	_ =	shalt  }
0x82: {  	_ =	shalt  }
0x83: {  	_ =	shalt  }
0x84: {  	_ =	shalt  }
0x85: {  	_ =	shalt  }
0x86: {  	_ =	shalt  }
0x87: {  	_ =	shalt  }
.Lfunc_end0:
.L_simem_size_0:
called_computation_lowered:
.L_overlay_start_0:
0x88: {  	s2 =	sld [smem:$0x3FD9]  }
0x89: {  	s3 =	sld [smem:$0x3FFE];
	_ =	sdelay $0x1  }
0x8a: {  	s1 =	srdreg.scid  }
0x8b: {  	s0 =	sand.u32 $0x1, s1  }
0x8c: {  	s17 =	sshll.u32 s0, $0xA;
	s2 =	sadd.s32 s3, s2  }
0x8d: {  	s2 =	sadd.s32 s2, s17  }
0x8e: {  	[smem:$0x3FC6] =	sst s2  }
0x8f: {  	_ = 	snop  }
0x90: {  	s2 =	sld [smem:$0x3FD0];
	(tm) =	ssettm $0x1  }
0x91: {  	s18 =	sld [smem:$0x3FFB];
	_ =	sdelay $0x3  }
0x92: {  	_ =	strace s18  }
0x93: {  	s3 =	sld [smem:$0x3FFC];
	_ =	sdelay $0x3  }
0x94: {  	_ =	strace s3  }
0x95: {  	s3 =	sld [smem:$0x3FFD];
	_ =	sdelay $0x3  }
0x96: {  	_ =	strace s3  }
0x97: {  	_ =	strace $0x8FFFFFFF  }
0x98: {  	s19 =	sld [smem:$0x3FDB];
	_ =	sdelay $0x1  }
0x99: {  	s4 =	simm.s32 $_scs_section_size  }
0x9a: {  	s5 =	simm.s32 $_size__tile_overlayer_lowered;
	s6 =	simm.s32 $_tile_overlayer_lowered  }
0x9b: {  	s22 =	simm.s32 $0x1BFF;
	s21 =	sshll.u32 s6, $0x1;
	s3 =	sadd.s32 s4, s19  }
0x9c: {  	s7 =	simm.s32 $0x0;
	s20 =	sshll.u32 s5, $0x1;
	s5 =	sadd.s32 s21, s3  }
0x9d: {  	[timem:s7], [sflag:s22] =	dma.local [hbm:s5], s20  }
0x9e: {  	_ =	swait.ge [sflag:s22], s20  }
0x9f: {  	s4 =	ssub.s32 $0x0, s20;
	[sflag:s22] =	ssyncset.done $0x0  }
0xa0: {  	[sflag:s22] =	ssyncadd.s32 s4;
	_ =	sdelay $0x1  }
0xa1: {  	s23 =	simm.s32 $0x1B8B  }
0xa2: {  	_ =	swait.ge [sflag:s23], $0x1  }
0xa3: {  	[sflag:s23] =	ssyncset.done $0x0  }
0xa4: {  	s25 =	simm.s32 $0x1B8E;
	s24 =	sld [smem:$0x3FFE];
	[sflag:s23] =	ssyncadd.s32 $0xFFFFFFFF  }
0xa5: {  	s26 =	simm.s32 $execute0_lowered;
	[smem:$0x3FD2] =	sst s25  }
0xa6: {  	s5 =	sshll.u32 s26, $0x1;
	_ =	strace $0x80000046;
	[dreg:$0x1] =	wrdreg $0xFFFFFFFF  }
0xa7: {  	s28 =	simm.s32 $_size_execute0_lowered;
	s3 =	sadd.s32 s3, s5;
	[dreg:$0x0] =	wrdreg $0x0  }
0xa8: {  	s5 =	sshll.u32 s28, $0x1;
	[dreg:$0x2] =	wrdreg s3  }
0xa9: {  	[dreg:$0x3] =	wrdreg s5  }
0xaa: {  	[dreg:$0x4] =	wrdreg $0xC0  }
0xab: {  	_ =	task [dreg:s7], $0x5FFFF  }
0xac: {  	[dreg:$0x1] =	wrdreg $0xFFFFFFFF  }
0xad: {  	[dreg:$0x0] =	wrdreg $0x60  }
0xae: {  	[dreg:$0x2] =	wrdreg s24  }
0xaf: {  	[dreg:$0x3] =	wrdreg s2  }
0xb0: {  	[dreg:$0x4] =	wrdreg $0x58800  }
0xb1: {  	[dreg:$0x5] =	wrdreg $0x9  }
0xb2: {  	_ =	task.clear_ibuf [dreg:s7], $0x6FFFF;
	_ =	strace $0x90000046  }
0xb3: {  	s29 =	simm.s32 $0x9;
	_ =	strace $0x80000048  }
0xb4: {  	_ =	swait.ge [sflag:s29], $0x1  }
0xb5: {  	[sflag:s29] =	ssyncadd.s32 $0xFFFFFFFF  }
0xb6: {  	_ =	strace $0x90000048  }
0xb7: {  	_ =	sfence  }
0xb8: {  	s30 =	sld [smem:$0x0];
	_ =	sdelay $0x2  }
0xb9: {  	s31 =	sshll.u32 s1, $0xD;
	s1 =	sshrl.u32 s1, $0x2  }
0xba: {  	s3 =	sand.u32 $0x4000, s31;
	s1 =	sadd.s32 s1, s30  }
0xbb: {  	s0 =	sor.u32 s3, s0;
	s1 =	sshll.u32 s1, $0x11  }
0xbc: {  	s0 =	sor.u32 s1, s0  }
0xbd: {  	s0 =	sadd.s32 $0x8F2B, s0  }
0xbe: {  	[sflag:s0] =	ssyncadd.remote.s32 $0x1  }
0xbf: {  	_ =	sfence.sel $0xFFFF  }
0xc0: {  	[dreg:$0x0] =	wrdreg $0xFFFFFFFF;
	(pc) =	sbr.abs _section_cstart, $3  }
0xc1: {  	[dreg:$0x1] =	wrdreg $0xFFFFFFFF  }
0xc2: {  	_ =	task.clear_ibuf [dreg:s7], $0x2FFFF;
	_ =	strace $0x9FFFFFFF  }
0xc3: {  	(tm) =	ssettm $0x7FFFFFFF  }
tec
execute0_lowered:
.L_overlay_start_1:
0x0: {  	(tag) =	ssettag $0x1  }
0x1: {  	s5 =	rddreg [dreg:$0x0]  }
0x2: {  	s3 =	rddreg [dreg:$0x1]  }
0x3: {  	s0 =	srdreg.scid;
	s1 =	rddreg [dreg:$0x2]  }
0x4: {  	s13 =	stileid.u32;
	s2 =	simm.s32 $0x0;
	s11 =	simm.s32 $0x3  }
0x5: {  	s12 =	simm.s32 $0x3E80;
	s14 =	simm.s32 $0x2;
	s15 =	simm.s32 $0x5680  }
0x6: {  	v0 =	vimm.s32 $0x3EF;
	vm0 =	vcmask $0x300;
	s16 =	simm.s32 $0x1;
	s17 =	simm.s32 $0x4C80;
	s18 =	simm.s32 $0x0  }
0x7: {  	vm10 =	vcmask $0x704;
	s4 =	sand.u32 $0x1, s0;
	s0 =	rddreg [dreg:$0x3];
	s7 =	smul.u32 $0x7D0, s13;
	v0 =	vsel vm0, $0x3E8, v0  }
0x8: {  	vm11 =	vcmask $0xB08;
	[smem:$0x7FF] =	sst s2;
	s31 =	sshll.u32 s13, $0x4;
	s6 =	sshll.u32 s4, $0x4;
	v0 =	vsel vm10, $0x3E9, v0  }
0x9: {  	vm12 =	vcmask $0xF0C;
	p0 =	sne.s32 s13, $0x0;
	s4 =	ssub.s32 $0x2, s4;
	s6 =	sor.u32 s13, s6;
	v0 =	vsel vm11, $0x3EA, v0  }
0xa: {  	vm13 =	vcmask $0x1310;
	_ =	strace $0x80000047;
	s8 =	sshrl.u32 s4, $0x1;
	s6 =	smul.u32 $0x140, s6;
	v0 =	vsel vm12, $0x3EB, v0  }
0xb: {  	vm14 =	vcmask $0x1714;
	s7 =	sadd.s32 s7, s5;
	s13 =	simm.s32 $0x5800;
	s10 =	ssub.s32 s4, s8;
	v1 =	vsel vm13, $0x3EC, v0;
	v0 =	vlaneseq.u32  }
0xc: {  	vm15 =	vcmask $0x1B18;
	s4 =	sadd.s32 $0x600, s7;
	s7 =	sadd.s32 $0x100, s1;
	s9 =	sadd.s32 s6, s5;
	v2 =	vsel vm14, $0x3ED, v1;
	v1 =	vmul.u32 $0x3E8, v0  }
0xd: {  	s3 =	sadd.s32 s3, s6;
	s5 =	sadd.s32 $0x8300, s5;
	s6 =	sadd.s32 s31, s1;
	v2 =	vsel vm15, $0x3EE, v2  }
0xe: {  	s8 =	sadd.s32 $0x8400, s9;
	s9 =	smax.u32 s10, $0x1;
	s10 =	simm.s32 $0x4280;
	v3 =	vadd.s32 $0xFA, v1;
	v4 =	vadd.s32 $0x1F4, v1;
	v5 =	vadd.s32 $0x2EE, v1  }
.LBB2_1:
0xf: {  	[tilespmem:s10], [sflag:$0x1] =	stream.linear.gather [hbm4b:s3+s2], $0xA00, $0x38;
	[tilespmem:$0x5898] =	vst v63  }
0x10: {  	_ = 	snop  }
0x11: {  	[tilespmem:s2], [sflag:$0x3] =	stream.linear.gather [hbm4b:s4+s2], $0x3E80, $0x38;
	[tilespmem:$0x5898] =	vst v63  }
0x12: {  	v6 =	vadd.s32 s2, v1;
	_ =	swait.ge [sflag:s11], $0x3E80  }
0x13: {  	v7 =	vadd.s32 s2, v3;
	[sflag:s11] =	ssyncset.done $0x0  }
0x14: {  	v8 =	vadd.s32 s2, v4;
	s19 =	simm.s32 $0x1;
	[sflag:s11] =	ssyncadd.s32 $0xFFFFC180  }
0x15: {  	v16 =	vimm.f32 $-Inf;
	v10 =	vadd.s32 s19, v1;
	[tilespmem:s12], [sflag:$0x2] =	stream.linear.gather [hbm4b:s5+s2], $0x3E8, $0x38;
	[tilespmem:$0x5898] =	vst v63  }
0x16: {  	v20 =	vadd.s32 s2, v5;
	s21 =	simm.s32 $0x2;
	[tilespmem:v2+s12+$0x0] =	vst.idx.msk $0xff, v16  }
0x17: {  	s20 =	simm.s32 $0x3;
	v21 =	vadd.s32 s21, v1;
	v22 =	vld.idx.msk [tilespmem:v6+s2+$0x0], $0xffff  }
0x18: {  	v15 =	vimm.s32 $0x0;
	v18 =	vadd.s32 s20, v1;
	v9 =	vld.idx.msk [tilespmem:v7+s2+$0x0], $0xffff  }
0x19: {  	v11 =	vimm.f32 $-Inf;
	v12 =	vimm.f32 $-Inf;
	v14 =	vadd.s32 s20, v3;
	v13 =	vld.idx.msk [tilespmem:v8+s2+$0x0], $0xffff  }
0x1a: {  	v19 =	vadd.s32 s21, v3;
	v17 =	vadd.s32 s19, v3;
	v23 =	vld.idx.msk [tilespmem:v10+s2+$0x0], $0xffff;
	v10 =	vimm.f32 $-Inf  }
0x1b: {  	s23 =	simm.s32 $0x4;
	s22 =	simm.s32 $0x0;
	v20 =	vld.idx.msk [tilespmem:v20+s2+$0x0], $0xffff;
	v6 =	vimm.s32 $0x0;
	v7 =	vimm.s32 $0x0;
	v8 =	vimm.s32 $0x0  }
.LBB2_2:
0x1c: {  	p1 =	slt.u32 s23, $0xF4;
	v24 =	vadd.s32 s19, v4;
	v25 =	vld.idx.msk [tilespmem:v21+s2+$0x0], $0xffff  }
0x1d: {  	v26 =	vadd.s32 s23, v1;
	v27 =	vadd.s32 s23, v3;
	v21 =	vadd.s32 s19, v5;
	v28 =	vld.idx.msk [tilespmem:v18+s2+$0x0], $0xffff  }
0x1e: {  	v29 =	vadd.s32 s23, v4;
	vm0 =	vgt.f32 v22, v16;
	v30 =	vadd.s32 s21, v4;
	v31 =	vld.idx.msk [tilespmem:v14+s2+$0x0], $0xffff  }
0x1f: {  	v15 =	vsel vm0, s22, v15;
	v14 =	vsel vm0, v22, v16;
	v16 =	vadd.s32 s21, v5;
	v22 =	vld.idx.msk [tilespmem:v19+s2+$0x0], $0xffff  }
0x20: {  	v32 =	vadd.s32 s23, v5;
	v34 =	vadd.s32 s20, v4;
	vm0 =	vgt.f32 v23, v14;
	v33 =	vld.idx.msk [tilespmem:v17+s2+$0x0], $0xffff  }
0x21: {  	s25 =	sadd.s32 $0x3, s23;
	v17 =	vsel vm0, v23, v14;
	v15 =	vsel vm0, s19, v15;
	v23 =	vld.idx.msk [tilespmem:v24+s2+$0x0], $0xffff;
	v24 =	vadd.s32 s20, v5  }
0x22: {  	s26 =	sadd.s32 $0x2, s23;
	v18 =	vadd.s32 s25, v1;
	v14 =	vadd.s32 s25, v3;
	vm0 =	vgt.f32 v25, v17;
	v35 =	vld.idx.msk [tilespmem:v21+s2+$0x0], $0xffff  }
0x23: {  	s28 =	sadd.s32 $0x1, s23;
	v21 =	vadd.s32 s26, v1;
	v25 =	vsel vm0, v25, v17;
	v15 =	vsel vm0, s21, v15;
	v30 =	vld.idx.msk [tilespmem:v30+s2+$0x0], $0xffff  }
0x24: {  	v36 =	vadd.s32 s28, v1;
	v19 =	vadd.s32 s26, v3;
	vm0 =	vgt.f32 v28, v25;
	v37 =	vld.idx.msk [tilespmem:v16+s2+$0x0], $0xffff  }
0x25: {  	v17 =	vadd.s32 s28, v3;
	v16 =	vsel vm0, v28, v25;
	v15 =	vsel vm0, s20, v15;
	v25 =	vld.idx.msk [tilespmem:v34+s2+$0x0], $0xffff  }
0x26: {  	vm1 =	vgt.f32 v13, v11;
	vm2 =	vgt.f32 v20, v12;
	vm0 =	vgt.f32 v9, v10;
	v24 =	vld.idx.msk [tilespmem:v24+s2+$0x0], $0xffff  }
0x27: {  	v9 =	vsel vm0, v9, v10;
	v10 =	vsel vm1, v13, v11;
	v11 =	vsel vm2, v20, v12  }
0x28: {  	vm3 =	vgt.f32 v33, v9;
	vm4 =	vgt.f32 v23, v10;
	vm5 =	vgt.f32 v35, v11  }
0x29: {  	v9 =	vsel vm3, v33, v9;
	v10 =	vsel vm4, v23, v10;
	v11 =	vsel vm5, v35, v11  }
0x2a: {  	vm6 =	vgt.f32 v22, v9;
	vm7 =	vgt.f32 v30, v10;
	vm8 =	vgt.f32 v37, v11  }
0x2b: {  	v9 =	vsel vm6, v22, v9;
	v12 =	vsel vm7, v30, v10;
	v13 =	vsel vm8, v37, v11  }
0x2c: {  	vm9 =	vgt.f32 v31, v9;
	vm10 =	vgt.f32 v25, v12;
	vm11 =	vgt.f32 v24, v13  }
.Ltmp0:
0x2d: {  	s24 =	simm.s32 $0xF8;
	v10 =	vsel vm9, v31, v9;
	v11 =	vsel vm10, v25, v12;
	v12 =	vsel vm11, v24, v13;
	v22 =	vld.idx.msk [tilespmem:v26+s2+$0x0], $0xffff;
	(pc) =	sbr.rel @p1 .LBB2_2-.Ltmp0, $4  }
0x2e: {  	v7 =	vsel vm1, s22, v7;
	v8 =	vsel vm2, s22, v8;
	v6 =	vsel vm0, s22, v6;
	s22 =	smov.u32 s23;
	v9 =	vld.idx.msk [tilespmem:v27+s2+$0x0], $0xffff  }
0x2f: {  	v6 =	vsel vm3, s19, v6;
	v7 =	vsel vm4, s19, v7;
	v8 =	vsel vm5, s19, v8;
	s19 =	smov.u32 s28;
	v13 =	vld.idx.msk [tilespmem:v29+s2+$0x0], $0xffff  }
0x30: {  	v6 =	vsel vm6, s21, v6;
	v7 =	vsel vm7, s21, v7;
	v8 =	vsel vm8, s21, v8;
	s21 =	smov.u32 s26;
	v23 =	vld.idx.msk [tilespmem:v36+s2+$0x0], $0xffff  }
0x31: {  	s23 =	sadd.s32 $0x4, s23;
	v6 =	vsel vm9, s20, v6;
	v7 =	vsel vm10, s20, v7;
	v8 =	vsel vm11, s20, v8;
	s20 =	smov.u32 s25;
	v20 =	vld.idx.msk [tilespmem:v32+s2+$0x0], $0xffff  }
0x32: {  	_ =	sdelay $0x3  }
0x33: {  	v24 =	vadd.s32 s19, v4;
	v21 =	vld.idx.msk [tilespmem:v21+s2+$0x0], $0xffff;
	v25 =	vadd.s32 s19, v5;
	vm0 =	vgt.f32 v22, v16  }
0x34: {  	v26 =	vadd.s32 s21, v4;
	v27 =	vld.idx.msk [tilespmem:v14+s2+$0x0], $0xffff;
	v57 =	vadd.s32 s21, v5;
	v58 =	vadd.s32 s20, v4  }
0x35: {  	v17 =	vld.idx.msk [tilespmem:v17+s2+$0x0], $0xffff;
	v60 =	vadd.s32 s20, v5;
	v14 =	vsel vm0, v22, v16;
	vm14 =	vgt.f32 v9, v10  }
0x36: {  	v18 =	vld.idx.msk [tilespmem:v18+s2+$0x0], $0xffff;
	v15 =	vsel vm0, s22, v15;
	vm15 =	vgt.f32 v13, v11;
	v9 =	vsel vm14, v9, v10  }
0x37: {  	v16 =	vld.idx.msk [tilespmem:v19+s2+$0x0], $0xffff;
	v6 =	vsel vm14, s22, v6;
	vm1 =	vgt.f32 v23, v14;
	v10 =	vsel vm15, v13, v11  }
0x38: {  	v7 =	vsel vm15, s22, v7;
	v14 =	vsel vm1, v23, v14;
	vm2 =	vgt.f32 v20, v12;
	v59 =	vld.idx.msk [tilespmem:v24+s2+$0x0], $0xffff  }
0x39: {  	v15 =	vsel vm1, s19, v15;
	vm12 =	vgt.f32 v21, v14;
	v25 =	vld.idx.msk [tilespmem:v25+s2+$0x0], $0xffff;
	v11 =	vsel vm2, v20, v12  }
0x3a: {  	v26 =	vld.idx.msk [tilespmem:v26+s2+$0x0], $0xffff;
	vm3 =	vgt.f32 v17, v9;
	v8 =	vsel vm2, s22, v8;
	v14 =	vsel vm12, v21, v14  }
0x3b: {  	v19 =	vld.idx.msk [tilespmem:v57+s2+$0x0], $0xffff;
	v61 =	vsel vm12, s21, v15;
	v9 =	vsel vm3, v17, v9;
	vm13 =	vgt.f32 v18, v14  }
0x3c: {  	v62 =	vld.idx.msk [tilespmem:v58+s2+$0x0], $0xffff;
	v6 =	vsel vm3, s19, v6;
	vm6 =	vgt.f32 v16, v9;
	v15 =	vsel vm13, v18, v14  }
0x3d: {  	v63 =	vld.idx.msk [tilespmem:v60+s2+$0x0], $0xffff;
	v14 =	vsel vm13, s20, v61;
	v9 =	vsel vm6, v16, v9;
	v6 =	vsel vm6, s21, v6  }
0x3e: {  	vm9 =	vgt.f32 v27, v9;
	vm4 =	vgt.f32 v59, v10;
	vm5 =	vgt.f32 v25, v11  }
0x3f: {  	v10 =	vsel vm4, v59, v10;
	v11 =	vsel vm5, v25, v11;
	v7 =	vsel vm4, s19, v7  }
0x40: {  	v8 =	vsel vm5, s19, v8;
	vm7 =	vgt.f32 v26, v10;
	vm8 =	vgt.f32 v19, v11  }
0x41: {  	v10 =	vsel vm7, v26, v10;
	v12 =	vsel vm8, v19, v11;
	v11 =	vsel vm9, v27, v9  }
0x42: {  	v7 =	vsel vm7, s21, v7;
	vm10 =	vgt.f32 v62, v10;
	vm11 =	vgt.f32 v63, v12  }
0x43: {  	v10 =	vsel vm10, v62, v10;
	v9 =	vsel vm11, v63, v12;
	v12 =	vsel vm8, s21, v8  }
0x44: {  	v8 =	vsel vm9, s20, v6;
	v7 =	vsel vm10, s20, v7;
	v6 =	vsel vm11, s20, v12  }
.LBB2_4:
0x45: {  	v12 =	vadd.s32 s24, v1  }
0x46: {  	v13 =	vadd.s32 s24, v3  }
0x47: {  	v16 =	vadd.s32 s24, v4  }
0x48: {  	v17 =	vadd.s32 s24, v5;
	_ =	sdelay $0x1  }
0x49: {  	v12 =	vld.idx.msk [tilespmem:v12+s2+$0x0], $0xffff  }
0x4a: {  	v13 =	vld.idx.msk [tilespmem:v13+s2+$0x0], $0xffff  }
0x4b: {  	v16 =	vld.idx.msk [tilespmem:v16+s2+$0x0], $0xffff  }
0x4c: {  	v17 =	vld.idx.msk [tilespmem:v17+s2+$0x0], $0xffff;
	_ =	sdelay $0x1  }
0x4d: {  	p1 =	sne.s32 s24, $0xF9  }
.Ltmp1:
0x4e: {  	_ = 	snop;
	(pc) =	sbr.rel @p1 .LBB2_4-.Ltmp1, $4  }
0x4f: {  	vm0 =	vgt.f32 v12, v15;
	vm15 =	vgt.f32 v13, v11;
	vm1 =	vgt.f32 v16, v10  }
0x50: {  	vm2 =	vgt.f32 v17, v9;
	v15 =	vsel vm0, v12, v15;
	v14 =	vsel vm0, s24, v14  }
0x51: {  	v8 =	vsel vm15, s24, v8;
	v7 =	vsel vm1, s24, v7;
	v6 =	vsel vm2, s24, v6  }
0x52: {  	v11 =	vsel vm15, v13, v11;
	v10 =	vsel vm1, v16, v10;
	v9 =	vsel vm2, v17, v9;
	s24 =	sadd.s32 $0x1, s24  }
0x53: {  	vm0 =	vgt.f32 v11, v15  }
0x54: {  	v11 =	vsel vm0, v11, v15  }
0x55: {  	v8 =	vadd.s32 $0xFA, v8;
	vm1 =	vgt.f32 v10, v11  }
0x56: {  	v7 =	vadd.s32 $0x1F4, v7;
	v8 =	vsel vm0, v8, v14;
	v10 =	vsel vm1, v10, v11  }
0x57: {  	v6 =	vadd.s32 $0x2EE, v6;
	v7 =	vsel vm1, v7, v8;
	vm15 =	vgt.f32 v9, v10  }
0x58: {  	v6 =	vsel vm15, v6, v7  }
0x59: {  	[tilespmem:$0x5800] =	vst v6  }
0x5a: {  	[spmem:s6] =	stream.linear.scatter [tilespmem:s13], [sflag:$0x3], $0x10, $0x38;
	[tilespmem:$0x5898] =	vst v63  }
0x5b: {  	_ =	swait.ge [sflag:s11], $0x10  }
.Ltmp2:
0x5c: {  	[sflag:s11] =	ssyncset.done $0x0;
	(pc) =	sbr.rel @p0 .LBB2_11-.Ltmp2, $4  }
0x5d: {  	[sflag:s11] =	ssyncadd.s32 $0xFFFFFFF0  }
0x5e: {  	_ =	swait.ge [sflag:s14], $0x3E8  }
0x5f: {  	[sflag:s14] =	ssyncset.done $0x0  }
0x60: {  	[sflag:s14] =	ssyncadd.s32 $0xFFFFFC18  }
0x61: {  	s19 =	simm.s32 $0x3EA0  }
0x62: {  	v7 =	vld [tilespmem:s19+$0xFFFFFFE0];
	_ =	sdelay $0x1  }
0x63: {  	v9 =	vld [tilespmem:s19+$0xFFFFFFF0];
	_ =	sdelay $0x1  }
0x64: {  	v8 =	vimm.f32 $-Inf;
	v6 =	vld [tilespmem:s19+$0x0]  }
0x65: {  	vm0 =	vgt.f32 v7, v8  }
0x66: {  	s20 =	simm.s32 $0x0;
	v10 =	vimm.s32 $0x0;
	v11 =	vsel vm0, v7, v8;
	v7 =	vld [tilespmem:s19+$0x10]  }
0x67: {  	s21 =	simm.s32 $0x1;
	s23 =	simm.s32 $0x3EE0;
	v12 =	vsel vm0, s20, v10;
	vm15 =	vgt.f32 v9, v11  }
0x68: {  	s24 =	simm.s32 $0x8;
	s19 =	simm.s32 $0x4;
	v8 =	vld [tilespmem:s23+$0xFFFFFFE0];
	v10 =	vsel vm15, v9, v11;
	v9 =	vsel vm15, s21, v12  }
.LBB2_7:
0x69: {  	p1 =	slt.u32 s24, $0x38;
	vm0 =	vgt.f32 v6, v10;
	s21 =	sadd.s32 $0x2, s20  }
0x6a: {  	v11 =	vld [tilespmem:s23+$0xFFFFFFF0];
	v10 =	vsel vm0, v6, v10;
	v9 =	vsel vm0, s21, v9  }
0x6b: {  	s21 =	sadd.s32 $0x3, s20;
	s20 =	smov.u32 s19;
	s19 =	smov.u32 s24;
	vm0 =	vgt.f32 v7, v10  }
.Ltmp3:
0x6c: {  	s22 =	simm.s32 $0x4240;
	v6 =	vld [tilespmem:s23+$0x0];
	v7 =	vsel vm0, v7, v10;
	v9 =	vsel vm0, s21, v9;
	s21 =	simm.s32 $0x3C;
	(pc) =	sbr.rel @p1 .LBB2_7-.Ltmp3, $4  }
0x6d: {  	vm0 =	vgt.f32 v8, v7  }
0x6e: {  	v10 =	vsel vm0, v8, v7;
	v9 =	vsel vm0, s20, v9;
	v7 =	vld [tilespmem:s23+$0x10]  }
0x6f: {  	s25 =	sadd.s32 $0x1, s20;
	s23 =	sadd.s32 $0x40, s23;
	vm0 =	vgt.f32 v11, v10  }
0x70: {  	s24 =	sadd.s32 $0x4, s24;
	v8 =	vld [tilespmem:s23+$0xFFFFFFE0];
	v10 =	vsel vm0, v11, v10;
	v9 =	vsel vm0, s25, v9  }
0x71: {  	vm0 =	vgt.f32 v6, v10  }
0x72: {  	v11 =	vld [tilespmem:s23+$0xFFFFFFF0];
	v6 =	vsel vm0, v6, v10  }
0x73: {  	vm1 =	vgt.f32 v7, v6  }
0x74: {  	v63 =	vld [tilespmem:s23+$0x0];
	v6 =	vsel vm1, v7, v6  }
0x75: {  	vm2 =	vgt.f32 v8, v6  }
0x76: {  	s24 =	sadd.s32 $0x2, s20;
	v7 =	vld [tilespmem:s23+$0x10];
	v6 =	vsel vm2, v8, v6  }
0x77: {  	s28 =	sadd.s32 $0x3, s20;
	v8 =	vsel vm0, s24, v9;
	vm13 =	vgt.f32 v11, v6  }
0x78: {  	v8 =	vsel vm1, s28, v8;
	v6 =	vsel vm13, v11, v6  }
0x79: {  	s29 =	sadd.s32 $0x1, s19;
	v8 =	vsel vm2, s19, v8;
	vm14 =	vgt.f32 v63, v6  }
0x7a: {  	s30 =	sadd.s32 $0x2, s19;
	v8 =	vsel vm13, s29, v8;
	v6 =	vsel vm14, v63, v6  }
0x7b: {  	s31 =	sadd.s32 $0x3, s19;
	v8 =	vsel vm14, s30, v8;
	vm15 =	vgt.f32 v7, v6  }
0x7c: {  	v6 =	vsel vm15, v7, v6;
	v7 =	vsel vm15, s31, v8  }
.LBB2_9:
0x7d: {  	v8 =	vld [tilespmem:s22+$0x0]  }
0x7e: {  	p1 =	sne.s32 s21, $0x3E  }
.Ltmp4:
0x7f: {  	_ = 	snop;
	(pc) =	sbr.rel @p1 .LBB2_9-.Ltmp4, $3  }
0x80: {  	_ =	sdelay $0x1  }
0x81: {  	vm0 =	vgt.f32 v8, v6  }
0x82: {  	s22 =	sadd.s32 $0x10, s22;
	v7 =	vsel vm0, s21, v7;
	v6 =	vsel vm0, v8, v6;
	s21 =	sadd.s32 $0x1, s21  }
0x83: {  	(xrf0) =	vmax.scan.msk.f32 $0xffff, v6;
	_ =	sdelay $0x5  }
0x84: {  	v8, _, _ =	vpop (xrf0)  }
0x85: {  	v8 =	vbroadcast v8, $0xF  }
0x86: {  	v7 =	vshll.u32 v7, $0x4;
	v9 =	vor.u32 $0x80000000, v0  }
0x87: {  	vm0 =	veq.f32 v6, v8;
	v6 =	vxor.u32 v9, v7  }
0x88: {  	v6 =	vnsel vm0, $0x800003E8, v6  }
0x89: {  	(xrf0) =	vmin.scan.msk.u32 $0xffff, v6;
	_ =	sdelay $0x5  }
0x8a: {  	v6, _, _ =	vpop (xrf0)  }
0x8b: {  	(v2sf) =	vpush v6, $0xF;
	_ =	sdelay $0xe  }
0x8c: {  	s19 =	spop (v2sf)  }
0x8d: {  	s19 =	sxor.u32 $0x80000000, s19  }
0x8e: {  	v6 =	vmov s19  }
0x8f: {  	[tilespmem:$0x5800] =	vst v6  }
0x90: {  	[spmem:s7] =	stream.linear.scatter [tilespmem:s13], [sflag:$0x3], $0x10, $0x38;
	[tilespmem:$0x5898] =	vst v63  }
0x91: {  	_ =	swait.ge [sflag:s11], $0x10  }
0x92: {  	[sflag:s11] =	ssyncset.done $0x0  }
0x93: {  	[sflag:s11] =	ssyncadd.s32 $0xFFFFFFF0  }
.LBB2_11:
0x94: {  	[bflag:$0x0] =	sbarrier.arrive $0xFFFF  }
0x95: {  	[tilespmem:s15], [sflag:$0x3] =	stream.linear.gather [spmem:s1], $0x180, $0x38;
	[tilespmem:$0x5898] =	vst v63  }
0x96: {  	_ =	swait.ge [sflag:s11], $0x180  }
0x97: {  	[sflag:s11] =	ssyncset.done $0x0  }
0x98: {  	[sflag:s11] =	ssyncadd.s32 $0xFFFFFE80  }
0x99: {  	_ =	swait.ge [sflag:s16], $0xA00  }
0x9a: {  	[sflag:s16] =	ssyncset.done $0x0  }
0x9b: {  	s19 =	simm.s32 $0x42A0;
	[sflag:s16] =	ssyncadd.s32 $0xFFFFF600  }
0x9c: {  	v6 =	vld [tilespmem:s19+$0x10]  }
0x9d: {  	v7 =	vld [tilespmem:s19+$0xFFFFFFF0]  }
0x9e: {  	v8 =	vld [tilespmem:s19+$0x0]  }
0x9f: {  	v9 =	vld [tilespmem:s19+$0xFFFFFFE0];
	_ =	sdelay $0x1  }
0xa0: {  	vm0 =	vgt.s32 v6, $0x0  }
0xa1: {  	s31 =	simm.s32 $0x42E0;
	vm1 =	vgt.s32 v7, $0x0;
	v6 =	vnsel vm0, $0x0, v6  }
0xa2: {  	v10 =	vld [tilespmem:s31+$0x10];
	v7 =	vnsel vm1, $0x0, v7;
	vm0 =	vgt.s32 v8, $0x0;
	v6 =	vmin.u32 v6, $0x100  }
0xa3: {  	v11 =	vld [tilespmem:s31+$0xFFFFFFF0];
	vm1 =	vgt.s32 v9, $0x0;
	v7 =	vmin.u32 v7, $0x100;
	v8 =	vnsel vm0, $0x0, v8  }
0xa4: {  	v12 =	vld [tilespmem:s31+$0x0];
	v9 =	vnsel vm1, $0x0, v9;
	v8 =	vmin.u32 v8, $0x100  }
0xa5: {  	s20 =	simm.s32 $0x4320;
	v13 =	vld [tilespmem:s31+$0xFFFFFFE0];
	v9 =	vmin.u32 v9, $0x100  }
0xa6: {  	v15 =	vld [tilespmem:s20+$0x10]  }
0xa7: {  	vm0 =	vgt.s32 v10, $0x0;
	v6 =	vld.idx.msk [tilespmem:v6+s15+$0x0], $0xffff  }
0xa8: {  	vm1 =	vgt.s32 v11, $0x0;
	v10 =	vnsel vm0, $0x0, v10;
	v7 =	vld.idx.msk [tilespmem:v7+s15+$0x0], $0xffff  }
0xa9: {  	vm0 =	vgt.s32 v12, $0x0;
	v10 =	vmin.u32 v10, $0x100;
	v14 =	vld.idx.msk [tilespmem:v8+s15+$0x0], $0xffff;
	v8 =	vnsel vm1, $0x0, v11  }
0xaa: {  	v11 =	vld.idx.msk [tilespmem:v9+s15+$0x0], $0xffff;
	vm1 =	vgt.s32 v13, $0x0;
	v16 =	vmin.u32 v8, $0x100;
	v8 =	vnsel vm0, $0x0, v12  }
0xab: {  	v12 =	vld [tilespmem:s20+$0xFFFFFFF0];
	v9 =	vnsel vm1, $0x0, v13;
	v13 =	vmin.u32 v8, $0x100  }
0xac: {  	v8 =	vld [tilespmem:s20+$0x0];
	v17 =	vmin.u32 v9, $0x100  }
0xad: {  	s19 =	simm.s32 $0x4CA0;
	v9 =	vld [tilespmem:s20+$0xFFFFFFE0]  }
0xae: {  	[tilespmem:s19+$0x10] =	vst v6;
	v6 =	vld.idx.msk [tilespmem:v10+s15+$0x0], $0xffff  }
0xaf: {  	vm0 =	vgt.s32 v15, $0x0;
	[tilespmem:s19+$0xFFFFFFF0] =	vst v7;
	v7 =	vld.idx.msk [tilespmem:v16+s15+$0x0], $0xffff  }
0xb0: {  	[tilespmem:s19+$0x0] =	vst v14;
	v14 =	vnsel vm0, $0x0, v15;
	vm1 =	vgt.s32 v12, $0x0;
	v10 =	vld.idx.msk [tilespmem:v13+s15+$0x0], $0xffff  }
0xb1: {  	s21 =	simm.s32 $0x4360;
	s20 =	simm.s32 $0x8;
	[tilespmem:s19+$0xFFFFFFE0] =	vst v11;
	v13 =	vnsel vm1, $0x0, v12;
	vm0 =	vgt.s32 v8, $0x0;
	v12 =	vmin.u32 v14, $0x100;
	v11 =	vld.idx.msk [tilespmem:v17+s15+$0x0], $0xffff  }
.LBB2_12:
0xb2: {  	v14 =	vld [tilespmem:s21+$0x10];
	s20 =	sadd.s32 $0x4, s20;
	vm1 =	vgt.s32 v9, $0x0;
	v13 =	vmin.u32 v13, $0x100;
	v8 =	vnsel vm0, $0x0, v8  }
0xb3: {  	s19 =	sadd.s32 $0x40, s19;
	v15 =	vld [tilespmem:s21+$0xFFFFFFF0];
	p1 =	slt.u32 s20, $0x9C;
	v9 =	vnsel vm1, $0x0, v9;
	v16 =	vmin.u32 v8, $0x100  }
0xb4: {  	v8 =	vld [tilespmem:s21+$0x0];
	v17 =	vmin.u32 v9, $0x100;
	[tilespmem:s19+$0x10] =	vst v6  }
.Ltmp5:
0xb5: {  	v9 =	vld [tilespmem:s21+$0xFFFFFFE0];
	[tilespmem:s19+$0xFFFFFFF0] =	vst v7;
	(pc) =	sbr.rel @p1 .LBB2_12-.Ltmp5, $4  }
0xb6: {  	v6 =	vld.idx.msk [tilespmem:v12+s15+$0x0], $0xffff;
	[tilespmem:s19+$0x0] =	vst v10  }
0xb7: {  	vm0 =	vgt.s32 v14, $0x0;
	v7 =	vld.idx.msk [tilespmem:v13+s15+$0x0], $0xffff;
	[tilespmem:s19+$0xFFFFFFE0] =	vst v11  }
0xb8: {  	vm1 =	vgt.s32 v15, $0x0;
	v11 =	vnsel vm0, $0x0, v14;
	v10 =	vld.idx.msk [tilespmem:v16+s15+$0x0], $0xffff  }
0xb9: {  	s21 =	sadd.s32 $0x40, s21;
	v13 =	vnsel vm1, $0x0, v15;
	vm0 =	vgt.s32 v8, $0x0;
	v12 =	vmin.u32 v11, $0x100;
	v11 =	vld.idx.msk [tilespmem:v17+s15+$0x0], $0xffff  }
0xba: {  	vm1 =	vgt.s32 v9, $0x0;
	v13 =	vmin.u32 v13, $0x100;
	v8 =	vnsel vm0, $0x0, v8  }
0xbb: {  	v9 =	vnsel vm1, $0x0, v9;
	v8 =	vmin.u32 v8, $0x100  }
0xbc: {  	v9 =	vmin.u32 v9, $0x100;
	_ =	sdelay $0x1  }
0xbd: {  	s19 =	sadd.s32 $0x40, s19;
	v12 =	vld.idx.msk [tilespmem:v12+s15+$0x0], $0xffff  }
0xbe: {  	[tilespmem:s19+$0x10] =	vst v6;
	v6 =	vld.idx.msk [tilespmem:v13+s15+$0x0], $0xffff  }
0xbf: {  	[tilespmem:s19+$0xFFFFFFF0] =	vst v7;
	v7 =	vld.idx.msk [tilespmem:v8+s15+$0x0], $0xffff  }
0xc0: {  	[tilespmem:s19+$0x0] =	vst v10;
	v63 =	vld.idx.msk [tilespmem:v9+s15+$0x0], $0xffff  }
0xc1: {  	[tilespmem:s19+$0xFFFFFFE0] =	vst v11;
	s19 =	sadd.s32 $0x40, s19  }
0xc2: {  	[tilespmem:s19+$0x10] =	vst v12  }
0xc3: {  	s18 =	sadd.s32 $0x1, s18;
	[tilespmem:s19+$0xFFFFFFF0] =	vst v6  }
0xc4: {  	p1 =	sne.s32 s18, s9;
	[tilespmem:s19+$0x0] =	vst v7  }
.Ltmp6:
0xc5: {  	[tilespmem:s19+$0xFFFFFFE0] =	vst v63;
	(pc) =	sbr.rel @p1 .LBB2_1-.Ltmp6, $4  }
0xc6: {  	[hbm4b:s8+s2] =	stream.linear.scatter [tilespmem:s17], [sflag:$0x3], $0xA00, $0x38;
	[tilespmem:$0x5898] =	vst v63  }
0xc7: {  	_ =	swait.ge [sflag:s11], $0xA00  }
0xc8: {  	[sflag:s11] =	ssyncset.done $0x0  }
0xc9: {  	[sflag:s11] =	ssyncadd.s32 $0xFFFFF600  }
0xca: {  	_ =	sfence.sel $0x180000  }
0xcb: {  	[bflag:$0x0] =	sbarrier.arrive $0xFFFF  }
0xcc: {  	_ =	strace $0x90000047  }
0xcd: {  	s0 =	sadd.s32 @!p0 $0x100000, s0;
	[bflag:$0x2] =	sbarrier.arrive $0xFFFF  }
0xce: {  	[sflag:s0] =	ssyncadd.tile.s32 @!p0 $0x1;
	_ =	shalt  }
.Lfunc_end2:
_tile_overlayer_lowered:
.L_overlay_start_2:
0xcf: {  	(tag) =	ssettag $0x2  }
0xd0: {  	s0 =	rddreg [dreg:$0x0];
	s2 =	stileid.u32  }
0xd1: {  	s1 =	rddreg [dreg:$0x1];
	p0 =	sne.s32 s2, $0x0  }
0xd2: {  	s3 =	rddreg [dreg:$0x2];
	[bflag:$0x3] =	sbarrier.arrive $0xFFFF;
	s2 =	simm.s32 @!p0 $0x1C03  }
0xd3: {  	[timem:s3], [sflag:s2] =	dma.local @!p0 [hbm:s0], s1  }
0xd4: {  	s0 =	simm.s32 @!p0 $0x3  }
0xd5: {  	_ =	swait.ge @!p0 [sflag:s0], s1  }
0xd6: {  	s1 =	ssub.s32 @!p0 $0x0, s1;
	[sflag:s0] =	ssyncset.done @!p0 $0x0  }
0xd7: {  	[sflag:s0] =	ssyncadd.s32 @!p0 s1  }
0xd8: {  	[bflag:$0x3] =	sbarrier.arrive $0xFFFF  }
0xd9: {  	_ =	shalt  }

</sc_bundles>
